<compile_context>
chip_gen: v7x
topology: tpu7x:2x2x1
jax: 0.10.2.dev20260603
libtpu: 0.0.44.dev20260713+nightly
codegen_flags: <defaults>
</compile_context>

<pallas_src>
import functools

import jax
import jax.numpy as jnp
from jax import lax
from jax.experimental import pallas as pl
from jax.experimental.pallas import tpu as pltpu
from jax.experimental.pallas import tpu_sc as plsc

_PH, _PW = 7, 7
_H, _W = 64, 64
_C = 512
_LANES = 16
_NC, _NS = 2, 16
_NCELL = _PH * _PW
_MESH_NC = 1


def _div7(x):
    return lax.shift_right_logical(x * 9363, 16)


def _roi_pool_body(img_ref, rois_ref, out_ref,
                   roi_v, yi_ref, xi_ref, idx_v, rows_v, sem):
    wid = lax.axis_index("s") * _MESH_NC + lax.axis_index("c")

    @pl.when(wid < 2 * _PH)
    def _():
        lanes = lax.iota(jnp.int32, _LANES)
        i = wid // 2
        ch = (wid - i * 2) * 256

        pltpu.sync_copy(rois_ref.at[pl.ds(0, 5), pl.ds(0, 128)], roi_v)

        def _lane(k):
            v = plsc.load_gather(
                roi_v, [jnp.full((_LANES,), k, jnp.int32),
                        jnp.zeros((_LANES,), jnp.int32)])
            return v.astype(jnp.int32)

        x_min, y_min, x_max, y_max = _lane(1), _lane(2), _lane(3), _lane(4)
        h = y_max - y_min + 1
        w = x_max - x_min + 1

        yi = y_min + jnp.minimum(_div7(lanes * h), h - 1)
        xi = x_min + jnp.minimum(_div7(lanes * w), w - 1)
        yi_ref[...] = yi
        xi_ref[...] = xi

        yrow = plsc.load_gather(yi_ref, [jnp.full((_LANES,), i, jnp.int32)])
        xcol = plsc.load_gather(xi_ref, [jnp.minimum(lanes, _PW - 1)])
        idx_v[...] = yrow * _W + xcol

        pltpu.async_copy(
            img_ref.at[idx_v.at[pl.ds(0, 8)], pl.ds(ch, 256)],
            rows_v, sem).wait()
        pltpu.sync_copy(
            rows_v.at[pl.ds(0, _PW)], out_ref.at[i, :, pl.ds(ch, 256)])


_roi_pool_sc = functools.partial(
    pl.kernel,
    out_type=jax.ShapeDtypeStruct((_PH, _PW, _C), jnp.float32),
    mesh=plsc.VectorSubcoreMesh(
        core_axis_name="c", subcore_axis_name="s", num_cores=_MESH_NC),
    compiler_params=pltpu.CompilerParams(needs_layout_passes=False),
    scratch_types=[
        pltpu.VMEM((5, 128), jnp.float32),
        pltpu.VMEM((_LANES,), jnp.int32),
        pltpu.VMEM((_LANES,), jnp.int32),
        pltpu.VMEM((_LANES,), jnp.int32),
        pltpu.VMEM((8, 256), jnp.float32),
        pltpu.SemaphoreType.DMA,
    ],
)(_roi_pool_body)


def kernel(img, rois):
    img_rows = img.reshape(_H * _W, _C)
    out = _roi_pool_sc(img_rows, rois.T)
    return jnp.transpose(out, (2, 0, 1))[None]

# --- scband reference (transcript-rebuilt; emitter-appended) ---
"""Pipeline reference for scband-roi-pooling-conv-52252572123507 (READ-ONLY COPY).

The authoritative reference and input builder live on the scoring server;
editing this copy changes nothing except your own understanding.
"""

import jax, jax.numpy as jnp
import numpy as np

POOL_SIZE = (7, 7)
SCALE_FACTOR = 1.0


def setup_inputs(seed: int = 0) -> dict:
    key = jax.random.key(seed)
    k1, k2 = jax.random.split(key)
    img = jax.random.normal(k1, (1, 64, 64, 512), dtype=jnp.float32)
    # sorted per-row ints in [0, 64) -> roi = [b, x_min, y_min, x_max, y_max] with
    # x_min <= y_min <= x_max <= y_max, guaranteeing valid non-empty crops.
    rois = jnp.sort(jax.random.randint(k2, (300, 5), 0, 64), axis=-1).astype(jnp.float32)
    return {"img": img, "rois": rois}


def _nn_resize_idx(in_size, out_size):
    # TF1 tf.image.resize_images NEAREST, align_corners=False:
    # src = min(floor(dst * in/out), in-1)
    idx = np.floor(np.arange(out_size) * (float(in_size) / float(out_size))).astype(np.int32)
    return np.minimum(idx, in_size - 1)


def _roi_coords(rois):
    r = rois * SCALE_FACTOR
    # jnp.round is round-half-even, matching np.round / tf.math.round
    return jnp.round(r).astype(jnp.int32)


def reference(img, rois):
    ph, pw = POOL_SIZE
    coords = _roi_coords(rois)

    def pool_one(c):
        x_min, y_min, x_max, y_max = c[1], c[2], c[3], c[4]
        h = y_max - y_min + 1
        w = x_max - x_min + 1
        yi = y_min + jnp.minimum((jnp.arange(ph) * h) // ph, h - 1)
        xi = x_min + jnp.minimum((jnp.arange(pw) * w) // pw, w - 1)
        return img[:, yi, :, :][:, :, xi, :]  # nearest-neighbor resize == gather

    pooled = jax.vmap(pool_one)(coords)  # [num_rois, 1, ph, pw, C]
    # faithful to the source: final_output[0, :, :, :, :] keeps only roi 0
    final = pooled[0]
    final = jnp.transpose(final, (0, 3, 1, 2))  # [1, C, ph, pw]
    return final.astype(jnp.float32)

if __name__ == "__main__":
    import jax
    _d = setup_inputs()
    print(jax.jit(kernel)(*tuple(_d.values())))

</pallas_src>

<mosaic_0001>
#map = affine_map<(d0, d1) -> (0, 0)>
#map1 = affine_map<(d0, d1) -> (0, 0, 0)>
module attributes {stable_mosaic.version = 14 : i64} {
  func.func @_roi_pool_body(%arg0: i32, %arg1: i32, %arg2: memref<4096x512xf32, #tpu.memory_space<hbm>>, %arg3: memref<5x300xf32, #tpu.memory_space<hbm>>, %arg4: memref<7x7x512xf32, #tpu.memory_space<hbm>>, %arg5: memref<5x128xf32, #tpu.memory_space<vmem>>, %arg6: memref<16xi32, #tpu.memory_space<vmem>>, %arg7: memref<16xi32, #tpu.memory_space<vmem>>, %arg8: memref<16xi32, #tpu.memory_space<vmem>>, %arg9: memref<8x256xf32, #tpu.memory_space<vmem>>, %arg10: memref<!tpu.dma_semaphore, #tpu.memory_space<semaphore_mem>>) attributes {dimension_semantics = [#tpu.dimension_semantics<core_parallel>, #tpu.dimension_semantics<subcore_parallel>], iteration_bounds = array<i64: 1, 16>, scalar_prefetch = 0 : i64, scratch_operands = 6 : i64, tpu.core_type = #tpu.core_type<sc_vector_subcore>, window_params = [{transform_indices = #map}, {transform_indices = #map}, {transform_indices = #map1}]} {
    %mul3A = arith.constant 1 : i32
    %mul3A_0 = arith.muli %arg1, %mul3A : i32
    %add3A = arith.addi %mul3A_0, %arg0 : i32
    %lt3A = arith.constant 14 : i32
    %lt3A_1 = arith.cmpi slt, %add3A, %lt3A : i32
    %convert_element_type3A = arith.extui %lt3A_1 : i1 to i32
    %cond3A = arith.constant 0 : i32
    %cond3A_2 = arith.cmpi ne, %convert_element_type3A, %cond3A : i32
    scf.if %cond3A_2 {
      %iota3A = tpu.iota {dimensions = array<i32: 0>} : vector<16xi32>
      %jit3A = arith.constant 2 : i32
      %div3A = arith.divsi %add3A, %jit3A : i32
      %sign3A = arith.constant 0 : i32
      %sign3A_3 = arith.cmpi sgt, %add3A, %sign3A : i32
      %sign3A_4 = arith.extui %sign3A_3 : i1 to i32
      %sign3A_5 = arith.constant 0 : i32
      %sign3A_6 = arith.cmpi slt, %add3A, %sign3A_5 : i32
      %sign3A_7 = arith.extui %sign3A_6 : i1 to i32
      %sign3A_8 = arith.subi %sign3A_4, %sign3A_7 : i32
      %sign3A_9 = arith.constant 0 : i32
      %sign3A_10 = arith.cmpi sgt, %jit3A, %sign3A_9 : i32
      %sign3A_11 = arith.extui %sign3A_10 : i1 to i32
      %sign3A_12 = arith.constant 0 : i32
      %sign3A_13 = arith.cmpi slt, %jit3A, %sign3A_12 : i32
      %sign3A_14 = arith.extui %sign3A_13 : i1 to i32
      %sign3A_15 = arith.subi %sign3A_11, %sign3A_14 : i32
      %ne3A = arith.cmpi ne, %sign3A_8, %sign3A_15 : i32
      %rem3A = arith.remsi %add3A, %jit3A : i32
      %ne3A_16 = arith.constant 0 : i32
      %ne3A_17 = arith.cmpi ne, %rem3A, %ne3A_16 : i32
      %and3A = arith.andi %ne3A, %ne3A_17 : i1
      %sub3A = arith.constant 1 : i32
      %sub3A_18 = arith.subi %div3A, %sub3A : i32
      %select_n3A = arith.select %and3A, %sub3A_18, %div3A : i32
      %mul3A_19 = arith.constant 2 : i32
      %mul3A_20 = arith.muli %select_n3A, %mul3A_19 : i32
      %sub3A_21 = arith.subi %add3A, %mul3A_20 : i32
      %mul3A_22 = arith.constant 256 : i32
      %mul3A_23 = arith.muli %sub3A_21, %mul3A_22 : i32
      "tpu.region"() ({
        %run_scoped3A = tpu.sem_alloc : memref<!tpu.dma_semaphore, #tpu.memory_space<semaphore_mem>>
        %dma_start3A_97 = arith.constant 0 : i32
        %dma_start3A_98 = arith.constant 0 : i32
        %dma_start3A_99 = tpu.memref_slice %arg3[%dma_start3A_97, %dma_start3A_98] : memref<5x300xf32, #tpu.memory_space<hbm>> -> memref<5x128xf32, #tpu.memory_space<hbm>>
        %dma_start3A_100 = arith.constant 0 : i32
        %dma_start3A_101 = arith.constant 0 : i32
        %dma_start3A_102 = tpu.memref_slice %arg3[%dma_start3A_100, %dma_start3A_101] : memref<5x300xf32, #tpu.memory_space<hbm>> -> memref<5x128xf32, #tpu.memory_space<hbm>>
        tpu.enqueue_dma source(%dma_start3A_102 : memref<5x128xf32, #tpu.memory_space<hbm>>) target(%arg5 : memref<5x128xf32, #tpu.memory_space<vmem>>) target_semaphore(%run_scoped3A : memref<!tpu.dma_semaphore, #tpu.memory_space<semaphore_mem>>)
        %dma_wait3A_103 = arith.constant 0 : i32
        %dma_wait3A_104 = arith.constant 0 : i32
        %dma_wait3A_105 = tpu.memref_slice %arg3[%dma_wait3A_103, %dma_wait3A_104] : memref<5x300xf32, #tpu.memory_space<hbm>> -> memref<5x128xf32, #tpu.memory_space<hbm>>
        %dma_wait3A_106 = arith.constant 0 : i32
        %dma_wait3A_107 = arith.constant 0 : i32
        %dma_wait3A_108 = tpu.memref_slice %arg3[%dma_wait3A_106, %dma_wait3A_107] : memref<5x300xf32, #tpu.memory_space<hbm>> -> memref<5x128xf32, #tpu.memory_space<hbm>>
        tpu.wait_dma2 semaphore(%run_scoped3A : memref<!tpu.dma_semaphore, #tpu.memory_space<semaphore_mem>>) src(%dma_wait3A_108 : memref<5x128xf32, #tpu.memory_space<hbm>>) dst(%arg5 : memref<5x128xf32, #tpu.memory_space<vmem>>)
        tpu.yield
      }) : () -> ()
      %broadcast_in_dim3A = arith.constant 1 : i32
      %broadcast_in_dim3A_24 = vector.broadcast %broadcast_in_dim3A : i32 to vector<16xi32>
      %broadcast_in_dim3A_25 = arith.constant 0 : i32
      %broadcast_in_dim3A_26 = vector.broadcast %broadcast_in_dim3A_25 : i32 to vector<16xi32>
      %gather3A = tpu.vector_load_idx %arg5[%broadcast_in_dim3A_24, %broadcast_in_dim3A_26] : memref<5x128xf32, #tpu.memory_space<vmem>>[vector<16xi32>, vector<16xi32>], vector<16xf32>,
      %convert_element_type3A_27 = arith.fptosi %gather3A : vector<16xf32> to vector<16xi32>
      %broadcast_in_dim3A_28 = arith.constant 2 : i32
      %broadcast_in_dim3A_29 = vector.broadcast %broadcast_in_dim3A_28 : i32 to vector<16xi32>
      %broadcast_in_dim3A_30 = arith.constant 0 : i32
      %broadcast_in_dim3A_31 = vector.broadcast %broadcast_in_dim3A_30 : i32 to vector<16xi32>
      %gather3A_32 = tpu.vector_load_idx %arg5[%broadcast_in_dim3A_29, %broadcast_in_dim3A_31] : memref<5x128xf32, #tpu.memory_space<vmem>>[vector<16xi32>, vector<16xi32>], vector<16xf32>,
      %convert_element_type3A_33 = arith.fptosi %gather3A_32 : vector<16xf32> to vector<16xi32>
      %broadcast_in_dim3A_34 = arith.constant 3 : i32
      %broadcast_in_dim3A_35 = vector.broadcast %broadcast_in_dim3A_34 : i32 to vector<16xi32>
      %broadcast_in_dim3A_36 = arith.constant 0 : i32
      %broadcast_in_dim3A_37 = vector.broadcast %broadcast_in_dim3A_36 : i32 to vector<16xi32>
      %gather3A_38 = tpu.vector_load_idx %arg5[%broadcast_in_dim3A_35, %broadcast_in_dim3A_37] : memref<5x128xf32, #tpu.memory_space<vmem>>[vector<16xi32>, vector<16xi32>], vector<16xf32>,
      %convert_element_type3A_39 = arith.fptosi %gather3A_38 : vector<16xf32> to vector<16xi32>
      %broadcast_in_dim3A_40 = arith.constant 4 : i32
      %broadcast_in_dim3A_41 = vector.broadcast %broadcast_in_dim3A_40 : i32 to vector<16xi32>
      %broadcast_in_dim3A_42 = arith.constant 0 : i32
      %broadcast_in_dim3A_43 = vector.broadcast %broadcast_in_dim3A_42 : i32 to vector<16xi32>
      %gather3A_44 = tpu.vector_load_idx %arg5[%broadcast_in_dim3A_41, %broadcast_in_dim3A_43] : memref<5x128xf32, #tpu.memory_space<vmem>>[vector<16xi32>, vector<16xi32>], vector<16xf32>,
      %convert_element_type3A_45 = arith.fptosi %gather3A_44 : vector<16xf32> to vector<16xi32>
      %sub3A_46 = arith.subi %convert_element_type3A_45, %convert_element_type3A_33 : vector<16xi32>
      %add3A_47 = arith.constant 1 : i32
      %add3A_48 = vector.broadcast %add3A_47 : i32 to vector<16xi32>
      %add3A_49 = arith.addi %sub3A_46, %add3A_48 : vector<16xi32>
      %sub3A_50 = arith.subi %convert_element_type3A_39, %convert_element_type3A_27 : vector<16xi32>
      %add3A_51 = arith.constant 1 : i32
      %add3A_52 = vector.broadcast %add3A_51 : i32 to vector<16xi32>
      %add3A_53 = arith.addi %sub3A_50, %add3A_52 : vector<16xi32>
      %mul3A_54 = arith.muli %iota3A, %add3A_49 : vector<16xi32>
      %mul3A_55 = arith.constant 9363 : i32
      %mul3A_56 = vector.broadcast %mul3A_55 : i32 to vector<16xi32>
      %mul3A_57 = arith.muli %mul3A_54, %mul3A_56 : vector<16xi32>
      %shift_right_logical3A = arith.constant 16 : i32
      %shift_right_logical3A_58 = vector.broadcast %shift_right_logical3A : i32 to vector<16xi32>
      %shift_right_logical3A_59 = arith.shrui %mul3A_57, %shift_right_logical3A_58 : vector<16xi32>
      %sub3A_60 = arith.constant 1 : i32
      %sub3A_61 = vector.broadcast %sub3A_60 : i32 to vector<16xi32>
      %sub3A_62 = arith.subi %add3A_49, %sub3A_61 : vector<16xi32>
      %min3A = arith.minsi %shift_right_logical3A_59, %sub3A_62 : vector<16xi32>
      %add3A_63 = arith.addi %convert_element_type3A_33, %min3A : vector<16xi32>
      %mul3A_64 = arith.muli %iota3A, %add3A_53 : vector<16xi32>
      %mul3A_65 = arith.constant 9363 : i32
      %mul3A_66 = vector.broadcast %mul3A_65 : i32 to vector<16xi32>
      %mul3A_67 = arith.muli %mul3A_64, %mul3A_66 : vector<16xi32>
      %shift_right_logical3A_68 = arith.constant 16 : i32
      %shift_right_logical3A_69 = vector.broadcast %shift_right_logical3A_68 : i32 to vector<16xi32>
      %shift_right_logical3A_70 = arith.shrui %mul3A_67, %shift_right_logical3A_69 : vector<16xi32>
      %sub3A_71 = arith.constant 1 : i32
      %sub3A_72 = vector.broadcast %sub3A_71 : i32 to vector<16xi32>
      %sub3A_73 = arith.subi %add3A_53, %sub3A_72 : vector<16xi32>
      %min3A_74 = arith.minsi %shift_right_logical3A_70, %sub3A_73 : vector<16xi32>
      %add3A_75 = arith.addi %convert_element_type3A_27, %min3A_74 : vector<16xi32>
      %swap3A = arith.constant 0 : index
      %swap3A_76 = tpu.vector_load %arg6[%swap3A] {strides = array<i32>} : memref<16xi32, #tpu.memory_space<vmem>>, vector<16xi32>,
      tpu.vector_store %arg6[%swap3A], %add3A_63 {strides = array<i32>} : memref<16xi32, #tpu.memory_space<vmem>>, vector<16xi32>,
      %swap3A_77 = arith.constant 0 : index
      %swap3A_78 = tpu.vector_load %arg7[%swap3A_77] {strides = array<i32>} : memref<16xi32, #tpu.memory_space<vmem>>, vector<16xi32>,
      tpu.vector_store %arg7[%swap3A_77], %add3A_75 {strides = array<i32>} : memref<16xi32, #tpu.memory_space<vmem>>, vector<16xi32>,
      %broadcast_in_dim3A_79 = vector.broadcast %select_n3A : i32 to vector<16xi32>
      %gather3A_80 = tpu.vector_load_idx %arg6[%broadcast_in_dim3A_79] : memref<16xi32, #tpu.memory_space<vmem>>[vector<16xi32>], vector<16xi32>,
      %min3A_81 = arith.constant 6 : i32
      %min3A_82 = vector.broadcast %min3A_81 : i32 to vector<16xi32>
      %min3A_83 = arith.minsi %iota3A, %min3A_82 : vector<16xi32>
      %gather3A_84 = tpu.vector_load_idx %arg7[%min3A_83] : memref<16xi32, #tpu.memory_space<vmem>>[vector<16xi32>], vector<16xi32>,
      %mul3A_85 = arith.constant 64 : i32
      %mul3A_86 = vector.broadcast %mul3A_85 : i32 to vector<16xi32>
      %mul3A_87 = arith.muli %gather3A_80, %mul3A_86 : vector<16xi32>
      %add3A_88 = arith.addi %mul3A_87, %gather3A_84 : vector<16xi32>
      %swap3A_89 = arith.constant 0 : index
      %swap3A_90 = tpu.vector_load %arg8[%swap3A_89] {strides = array<i32>} : memref<16xi32, #tpu.memory_space<vmem>>, vector<16xi32>,
      tpu.vector_store %arg8[%swap3A_89], %add3A_88 {strides = array<i32>} : memref<16xi32, #tpu.memory_space<vmem>>, vector<16xi32>,
      %dma_start3A = arith.constant 0 : i32
      %dma_start3A_91 = tpu.memref_slice %arg8[%dma_start3A] : memref<16xi32, #tpu.memory_space<vmem>> -> memref<8xi32, #tpu.memory_space<vmem>>
      %dma_start3A_92 = arith.constant 0 : i32
      %dma_start3A_93 = tpu.memref_slice %arg2[%dma_start3A_92, %mul3A_23] : memref<4096x512xf32, #tpu.memory_space<hbm>> -> memref<4096x256xf32, #tpu.memory_space<hbm>>
      tpu.enqueue_indirect_dma source(%dma_start3A_93 : memref<4096x256xf32, #tpu.memory_space<hbm>>) target(%arg9 : memref<8x256xf32, #tpu.memory_space<vmem>>) offsets(%dma_start3A_91 : memref<8xi32, #tpu.memory_space<vmem>>) semaphore(%arg10 : memref<!tpu.dma_semaphore, #tpu.memory_space<semaphore_mem>>)
      %dma_wait3A = arith.constant 0 : i32
      %dma_wait3A_94 = tpu.memref_slice %arg8[%dma_wait3A] : memref<16xi32, #tpu.memory_space<vmem>> -> memref<8xi32, #tpu.memory_space<vmem>>
      %dma_wait3A_95 = arith.constant 0 : i32
      %dma_wait3A_96 = tpu.memref_slice %arg2[%dma_wait3A_95, %mul3A_23] : memref<4096x512xf32, #tpu.memory_space<hbm>> -> memref<4096x256xf32, #tpu.memory_space<hbm>>
      tpu.wait_indirect_dma semaphore(%arg10 : memref<!tpu.dma_semaphore, #tpu.memory_space<semaphore_mem>>) src(%dma_wait3A_96 : memref<4096x256xf32, #tpu.memory_space<hbm>>) dst(%arg9 : memref<8x256xf32, #tpu.memory_space<vmem>>)
      "tpu.region"() ({
        %run_scoped3A = tpu.sem_alloc : memref<!tpu.dma_semaphore, #tpu.memory_space<semaphore_mem>>
        %dma_start3A_97 = arith.constant 0 : i32
        %dma_start3A_98 = arith.constant 0 : i32
        %dma_start3A_99 = tpu.memref_slice %arg9[%dma_start3A_97, %dma_start3A_98] : memref<8x256xf32, #tpu.memory_space<vmem>> -> memref<7x256xf32, #tpu.memory_space<vmem>>
        %dma_start3A_100 = arith.constant 0 : i32
        %dma_start3A_101 = tpu.memref_slice %arg4[%select_n3A, %dma_start3A_100, %mul3A_23] : memref<7x7x512xf32, #tpu.memory_space<hbm>> -> memref<1x7x256xf32, #tpu.memory_space<hbm>>
        %dma_start3A_102 = tpu.memref_squeeze %dma_start3A_101 : memref<1x7x256xf32, #tpu.memory_space<hbm>> -> memref<7x256xf32, #tpu.memory_space<hbm>>
        %dma_start3A_103 = arith.constant 0 : i32
        %dma_start3A_104 = tpu.memref_slice %arg4[%select_n3A, %dma_start3A_103, %mul3A_23] : memref<7x7x512xf32, #tpu.memory_space<hbm>> -> memref<1x7x256xf32, #tpu.memory_space<hbm>>
        %dma_start3A_105 = tpu.memref_squeeze %dma_start3A_104 : memref<1x7x256xf32, #tpu.memory_space<hbm>> -> memref<7x256xf32, #tpu.memory_space<hbm>>
        %dma_start3A_106 = arith.constant 0 : i32
        %dma_start3A_107 = arith.constant 0 : i32
        %dma_start3A_108 = tpu.memref_slice %arg9[%dma_start3A_106, %dma_start3A_107] : memref<8x256xf32, #tpu.memory_space<vmem>> -> memref<7x256xf32, #tpu.memory_space<vmem>>
        tpu.enqueue_dma source(%dma_start3A_108 : memref<7x256xf32, #tpu.memory_space<vmem>>) target(%dma_start3A_105 : memref<7x256xf32, #tpu.memory_space<hbm>>) target_semaphore(%run_scoped3A : memref<!tpu.dma_semaphore, #tpu.memory_space<semaphore_mem>>)
        %dma_wait3A_109 = arith.constant 0 : i32
        %dma_wait3A_110 = arith.constant 0 : i32
        %dma_wait3A_111 = tpu.memref_slice %arg9[%dma_wait3A_109, %dma_wait3A_110] : memref<8x256xf32, #tpu.memory_space<vmem>> -> memref<7x256xf32, #tpu.memory_space<vmem>>
        %dma_wait3A_112 = arith.constant 0 : i32
        %dma_wait3A_113 = tpu.memref_slice %arg4[%select_n3A, %dma_wait3A_112, %mul3A_23] : memref<7x7x512xf32, #tpu.memory_space<hbm>> -> memref<1x7x256xf32, #tpu.memory_space<hbm>>
        %dma_wait3A_114 = tpu.memref_squeeze %dma_wait3A_113 : memref<1x7x256xf32, #tpu.memory_space<hbm>> -> memref<7x256xf32, #tpu.memory_space<hbm>>
        %dma_wait3A_115 = arith.constant 0 : i32
        %dma_wait3A_116 = tpu.memref_slice %arg4[%select_n3A, %dma_wait3A_115, %mul3A_23] : memref<7x7x512xf32, #tpu.memory_space<hbm>> -> memref<1x7x256xf32, #tpu.memory_space<hbm>>
        %dma_wait3A_117 = tpu.memref_squeeze %dma_wait3A_116 : memref<1x7x256xf32, #tpu.memory_space<hbm>> -> memref<7x256xf32, #tpu.memory_space<hbm>>
        %dma_wait3A_118 = arith.constant 0 : i32
        %dma_wait3A_119 = arith.constant 0 : i32
        %dma_wait3A_120 = tpu.memref_slice %arg9[%dma_wait3A_118, %dma_wait3A_119] : memref<8x256xf32, #tpu.memory_space<vmem>> -> memref<7x256xf32, #tpu.memory_space<vmem>>
        tpu.wait_dma2 semaphore(%run_scoped3A : memref<!tpu.dma_semaphore, #tpu.memory_space<semaphore_mem>>) src(%dma_wait3A_120 : memref<7x256xf32, #tpu.memory_space<vmem>>) dst(%dma_wait3A_117 : memref<7x256xf32, #tpu.memory_space<hbm>>)
        tpu.yield
      }) : () -> ()
    } else {
    }
    return
  }
}

</mosaic_0001>

<sc_bundles>
// kernel: kernel.3.cloned.1.call-start
scs
__scs_entry_jumppad:
0x0: {  	(pc) =	sbr.rel $0x88, $3  }
0x1: {  	(tag) =	ssettag $0x0;
	lr =	simm.s32 $0x1  }
0x2: {  	[smem:$0x3F9F] =	sst lr;
	_ =	strace $0xD0000000  }
0x3: {  	_ = 	snop  }
0x4: {  	_ = 	snop  }
0x5: {  	_ = 	snop  }
0x6: {  	_ = 	snop  }
0x7: {  	_ = 	snop  }
__scs_overlays_trampoline_lowered:
0x8: {  	[smem:$0x3FAE] =	sst s0  }
0x9: {  	[smem:$0x3FAF] =	sst s1  }
0xa: {  	[smem:$0x3FB0] =	sst s2  }
0xb: {  	[smem:$0x3FB1] =	sst s3  }
0xc: {  	[smem:$0x3FB2] =	sst s4  }
0xd: {  	[smem:$0x3FB3] =	sst s5  }
0xe: {  	[smem:$0x3FB4] =	sst s6  }
0xf: {  	[smem:$0x3FB5] =	sst s7  }
0x10: {  	[smem:$0x3FB6] =	sst s8  }
0x11: {  	[smem:$0x3FB7] =	sst s9;
	s0 =	simm.s32 @!p0 $0x0  }
0x12: {  	s1 =	sld [smem:$0x3F9D];
	s0 =	simm.s32 @p0 $0x1  }
0x13: {  	[smem:$0x3FB8] =	sst s0;
	s0 =	simm.s32 @!p1 $0x0  }
0x14: {  	s2 =	sld [smem:$0x3F9C];
	s0 =	simm.s32 @p1 $0x1  }
0x15: {  	[smem:$0x3FB9] =	sst s0;
	s0 =	simm.s32 @!p2 $0x0  }
0x16: {  	s3 =	sld [smem:$0x3FDB];
	s0 =	simm.s32 @p2 $0x1  }
0x17: {  	s4 =	simm.s32 $0x1BF5;
	[smem:$0x3FBB] =	sst s0  }
0x18: {  	s0 =	sld [smem:$0x3F9E];
	_ =	swait.ge [sflag:s4], $0x0  }
0x19: {  	s7 =	sld [smem:$0x3F9F]  }
0x1a: {  	s8 =	sadd.s32 $0xFFFFE003, lr  }
0x1b: {  	s9 =	sadd.s32 $0xFFFFFEF7, lr;
	s5 =	simm.s32 $0xFFFFFFFF;
	p2 =	slt.u32 s8, $0xFFFFF086  }
0x1c: {  	p1 =	slt.u32 s9, $0xF7A;
	s5 =	simm.s32 @!p2 $0x0  }
0x1d: {  	s5 =	simm.s32 @p1 $0x1;
	p0 =	seq.s32 s7, s2  }
0x1e: {  	s7 =	smul.u32 @!p0 $0xF7A, s2;
	p2 =	seq.s32 @!p0 s5, $0x0  }
0x1f: {  	s9 =	smul.u32 $0xF7A, s1;
	s8 =	simm.s32 @!p0 $0x1BF5;
	p2 =	por !p2, p0  }
0x20: {  	[sflag:s8] =	ssyncset.s32 @!p0 $0xFFFFF086;
	s6 =	sadd.s32 @!p0 s3, s7;
	s7 =	simm.s32 @!p0 $0x108  }
0x21: {  	s3 =	sadd.s32 s3, s9;
	s6 =	sadd.s32 @!p0 $0x88, s6;
	s7 =	simm.s32 @p2 $0x1082  }
0x22: {  	[simem:s7], [sflag:s8] =	dma.local @!p0 [hbm:s6], $0xF7A  }
0x23: {  	s9 =	sor.u32 $0xD0000000, s2;
	s6 =	simm.s32 $0x108;
	_ =	swait.ge @!p0 [sflag:s8], $0x0  }
0x24: {  	s3 =	sadd.s32 $0x88, s3;
	s6 =	simm.s32 @!p1 $0x1082;
	[sflag:s4] =	ssyncset.s32 $0xFFFFF086  }
0x25: {  	[simem:s6], [sflag:s4] =	dma.local [hbm:s3], $0xF7A  }
0x26: {  	[smem:$0x3F9F] =	sst s1;
	(tag) =	ssettag s2;
	_ =	strace s9  }
0x27: {  	s1 =	sld [smem:$0x3FAF]  }
0x28: {  	s2 =	sld [smem:$0x3FB0]  }
0x29: {  	s4 =	sld [smem:$0x3FB2]  }
0x2a: {  	p0 =	seq.s32 s5, $0x0;
	s5 =	sld [smem:$0x3FB3]  }
0x2b: {  	s6 =	sld [smem:$0x3FB4]  }
0x2c: {  	s7 =	sld [smem:$0x3FB5]  }
0x2d: {  	s3 =	simm.s32 $0x108;
	s8 =	sld [smem:$0x3FB6]  }
0x2e: {  	s3 =	simm.s32 @!p0 $0x1082;
	s9 =	sld [smem:$0x3FB7]  }
0x2f: {  	lr =	sadd.s32 s0, s3;
	s0 =	sld [smem:$0x3FAE]  }
0x30: {  	s3 =	sld [smem:$0x3FB1]  }
0x31: {  	[smem:$0x3FBA] =	sst s10  }
0x32: {  	s10 =	sld [smem:$0x3FB8];
	_ =	sdelay $0x3  }
0x33: {  	p0 =	seq.s32 s10, $0x1;
	s10 =	sld [smem:$0x3FBA];
	_ =	sdelay $0x3  }
0x34: {  	[smem:$0x3FBA] =	sst s10  }
0x35: {  	s10 =	sld [smem:$0x3FB9];
	_ =	sdelay $0x3  }
0x36: {  	p1 =	seq.s32 s10, $0x1;
	s10 =	sld [smem:$0x3FBA];
	_ =	sdelay $0x3  }
0x37: {  	[smem:$0x3FBA] =	sst s10  }
0x38: {  	s10 =	sld [smem:$0x3FBB]  }
0x39: {  	_ = 	snop;
	(pc) =	sbr.ind lr, $3  }
0x3a: {  	_ = 	snop  }
0x3b: {  	_ = 	snop  }
0x3c: {  	p2 =	seq.s32 s10, $0x1;
	s10 =	sld [smem:$0x3FBA]  }
0x3d: {  	_ =	shalt  }
0x3e: {  	_ =	shalt  }
0x3f: {  	_ =	shalt  }
0x40: {  	_ =	shalt  }
0x41: {  	_ =	shalt  }
0x42: {  	_ =	shalt  }
0x43: {  	_ =	shalt  }
0x44: {  	_ =	shalt  }
0x45: {  	_ =	shalt  }
0x46: {  	_ =	shalt  }
0x47: {  	_ =	shalt  }
0x48: {  	_ =	shalt  }
0x49: {  	_ =	shalt  }
0x4a: {  	_ =	shalt  }
0x4b: {  	_ =	shalt  }
0x4c: {  	_ =	shalt  }
0x4d: {  	_ =	shalt  }
0x4e: {  	_ =	shalt  }
0x4f: {  	_ =	shalt  }
0x50: {  	_ =	shalt  }
0x51: {  	_ =	shalt  }
0x52: {  	_ =	shalt  }
0x53: {  	_ =	shalt  }
0x54: {  	_ =	shalt  }
0x55: {  	_ =	shalt  }
0x56: {  	_ =	shalt  }
0x57: {  	_ =	shalt  }
0x58: {  	_ =	shalt  }
0x59: {  	_ =	shalt  }
0x5a: {  	_ =	shalt  }
0x5b: {  	_ =	shalt  }
0x5c: {  	_ =	shalt  }
0x5d: {  	_ =	shalt  }
0x5e: {  	_ =	shalt  }
0x5f: {  	_ =	shalt  }
0x60: {  	_ =	shalt  }
0x61: {  	_ =	shalt  }
0x62: {  	_ =	shalt  }
0x63: {  	_ =	shalt  }
0x64: {  	_ =	shalt  }
0x65: {  	_ =	shalt  }
0x66: {  	_ =	shalt  }
0x67: {  	_ =	shalt  }
0x68: {  	_ =	shalt  }
0x69: {  	_ =	shalt  }
0x6a: {  	_ =	shalt  }
0x6b: {  	_ =	shalt  }
0x6c: {  	_ =	shalt  }
0x6d: {  	_ =	shalt  }
0x6e: {  	_ =	shalt  }
0x6f: {  	_ =	shalt  }
0x70: {  	_ =	shalt  }
0x71: {  	_ =	shalt  }
0x72: {  	_ =	shalt  }
0x73: {  	_ =	shalt  }
0x74: {  	_ =	shalt  }
0x75: {  	_ =	shalt  }
0x76: {  	_ =	shalt  }
0x77: {  	_ =	shalt  }
0x78: {  	_ =	shalt  }
0x79: {  	_ =	shalt  }
0x7a: {  	_ =	shalt  }
0x7b: {  	_ =	shalt  }
0x7c: {  	_ =	shalt  }
0x7d: {  	_ =	shalt  }
0x7e: {  	_ =	shalt  }
0x7f: {  	_ =	shalt  }
0x80: {  	_ =	shalt  }
0x81: {  	_ =	shalt  }
0x82: {  	_ =	shalt  }
0x83: {  	_ =	shalt  }
0x84: {  	_ =	shalt  }
0x85: {  	_ =	shalt  }
0x86: {  	_ =	shalt  }
0x87: {  	_ =	shalt  }
.Lfunc_end0:
.L_simem_size_0:
called_computation_lowered:
.L_overlay_start_0:
0x88: {  	s0 =	sld [smem:$0x3FD9]  }
0x89: {  	s1 =	sld [smem:$0x3FFE];
	_ =	sdelay $0x3  }
0x8a: {  	s0 =	sadd.s32 s1, s0  }
0x8b: {  	[smem:$0x3FC6] =	sst s0  }
0x8c: {  	_ = 	snop  }
0x8d: {  	s0 =	sld [smem:$0x3FC9]  }
0x8e: {  	s16 =	sld [smem:$0x3FC8];
	(tm) =	ssettm $0x1  }
0x8f: {  	s2 =	sld [smem:$0x3FFB];
	_ =	sdelay $0x3  }
0x90: {  	_ =	strace s2  }
0x91: {  	s2 =	sld [smem:$0x3FFC];
	_ =	sdelay $0x3  }
0x92: {  	_ =	strace s2  }
0x93: {  	s2 =	sld [smem:$0x3FFD];
	_ =	sdelay $0x3  }
0x94: {  	_ =	strace s2  }
0x95: {  	_ =	strace $0x8FFFFFFF  }
0x96: {  	s17 =	sld [smem:$0x3FDB];
	_ =	sdelay $0x1  }
0x97: {  	s3 =	simm.s32 $_scs_section_size  }
0x98: {  	s4 =	simm.s32 $_size__tile_overlayer_lowered;
	s5 =	simm.s32 $_tile_overlayer_lowered  }
0x99: {  	s20 =	simm.s32 $0x1BFF;
	s19 =	sshll.u32 s5, $0x1;
	s2 =	sadd.s32 s3, s17  }
0x9a: {  	s6 =	simm.s32 $0x0;
	s18 =	sshll.u32 s4, $0x1;
	s4 =	sadd.s32 s19, s2  }
0x9b: {  	[timem:s6], [sflag:s20] =	dma.local [hbm:s4], s18  }
0x9c: {  	_ =	swait.ge [sflag:s20], s18  }
0x9d: {  	s3 =	ssub.s32 $0x0, s18;
	[sflag:s20] =	ssyncset.done $0x0  }
0x9e: {  	[sflag:s20] =	ssyncadd.s32 s3;
	_ =	sdelay $0x1  }
0x9f: {  	s21 =	simm.s32 $0x1B8B  }
0xa0: {  	_ =	swait.ge [sflag:s21], $0x1  }
0xa1: {  	[sflag:s21] =	ssyncset.done $0x0  }
0xa2: {  	s23 =	simm.s32 $0x1B8E;
	s22 =	sld [smem:$0x3FFE];
	[sflag:s21] =	ssyncadd.s32 $0xFFFFFFFF  }
0xa3: {  	s24 =	simm.s32 $execute0_lowered;
	[smem:$0x3FD2] =	sst s23  }
0xa4: {  	s4 =	sshll.u32 s24, $0x1;
	_ =	strace $0x80000046;
	[dreg:$0x1] =	wrdreg $0xFFFFFFFF  }
0xa5: {  	s25 =	simm.s32 $_size_execute0_lowered;
	s2 =	sadd.s32 s2, s4;
	[dreg:$0x0] =	wrdreg $0x0  }
0xa6: {  	s4 =	sshll.u32 s25, $0x1;
	[dreg:$0x2] =	wrdreg s2  }
0xa7: {  	[dreg:$0x3] =	wrdreg s4  }
0xa8: {  	[dreg:$0x4] =	wrdreg $0xC0  }
0xa9: {  	_ =	task [dreg:s6], $0x5FFFF  }
0xaa: {  	[dreg:$0x1] =	wrdreg $0xFFFFFFFF  }
0xab: {  	[dreg:$0x0] =	wrdreg $0x60  }
0xac: {  	[dreg:$0x2] =	wrdreg s0  }
0xad: {  	[dreg:$0x3] =	wrdreg s16  }
0xae: {  	[dreg:$0x4] =	wrdreg s22  }
0xaf: {  	[dreg:$0x5] =	wrdreg $0x9  }
0xb0: {  	_ =	task.clear_ibuf [dreg:s6], $0x6FFFF;
	_ =	strace $0x90000046  }
0xb1: {  	s26 =	simm.s32 $0x9;
	_ =	strace $0x80000048  }
0xb2: {  	_ =	swait.ge [sflag:s26], $0x1  }
0xb3: {  	[sflag:s26] =	ssyncadd.s32 $0xFFFFFFFF  }
0xb4: {  	_ =	strace $0x90000048  }
0xb5: {  	_ =	sfence  }
0xb6: {  	s28 =	sld [smem:$0x0];
	_ =	sdelay $0x1  }
0xb7: {  	s29 =	srdreg.scid  }
0xb8: {  	s30 =	sshll.u32 s29, $0xD;
	s31 =	sshrl.u32 s29, $0x2  }
0xb9: {  	s1 =	sand.u32 $0x1, s29;
	s2 =	sand.u32 $0x4000, s30;
	s0 =	sadd.s32 s31, s28  }
0xba: {  	s1 =	sor.u32 s2, s1;
	s0 =	sshll.u32 s0, $0x11  }
0xbb: {  	s0 =	sor.u32 s0, s1  }
0xbc: {  	s0 =	sadd.s32 $0x8F2B, s0  }
0xbd: {  	[sflag:s0] =	ssyncadd.remote.s32 $0x1  }
0xbe: {  	_ =	sfence.sel $0xFFFF  }
0xbf: {  	[dreg:$0x0] =	wrdreg $0xFFFFFFFF;
	(pc) =	sbr.abs _section_cstart, $3  }
0xc0: {  	[dreg:$0x1] =	wrdreg $0xFFFFFFFF  }
0xc1: {  	_ =	task.clear_ibuf [dreg:s6], $0x2FFFF;
	_ =	strace $0x9FFFFFFF  }
0xc2: {  	(tm) =	ssettm $0x7FFFFFFF  }
0xc3: {  	_ =	shalt  }
tec
execute0_lowered:
.L_overlay_start_1:
0x0: {  	(tag) =	ssettag $0x1  }
0x1: {  	s1 =	stileid.u32  }
0x2: {  	p0 =	sgt.u32 s1, $0xD  }
.Ltmp0:
0x3: {  	s4 =	rddreg [dreg:$0x0];
	(pc) =	sbr.rel @p0 .LBB2_2-.Ltmp0, $4  }
0x4: {  	s5 =	rddreg [dreg:$0x1]  }
0x5: {  	s3 =	rddreg [dreg:$0x2];
	s2 =	simm.s32 $0x0  }
0x6: {  	[smem:$0x7FF] =	sst s2  }
0x7: {  	s0 =	rddreg [dreg:$0x3];
	_ =	strace $0x80000047  }
0x8: {  	s6 =	simm.s32 $0x400;
	s7 =	simm.s32 $0xC00  }
0x9: {  	[tilespmem:s2], [sflag:$0x2] =	stream.strided.gather [hbm4b:s5+s6], $0x0, s7, s6, $0x38;
	[tilespmem:$0xD80] =	vst v63  }
0xa: {  	v0 =	vimm.s32 $0x80;
	s23 =	simm.s32 $0x2  }
0xb: {  	v1 =	vimm.s32 $0x100;
	[tilespmem:s2], [sflag:$0x2] =	stream.linear.gather [hbm4b:s5+s2], $0x280, $0x38;
	[tilespmem:$0xD80] =	vst v63  }
0xc: {  	v2 =	vimm.s32 $0x180;
	_ =	swait.ge [sflag:s23], $0x280  }
0xd: {  	v3 =	vimm.s32 $0x200;
	[sflag:s23] =	ssyncset.done $0x0  }
0xe: {  	[sflag:s23] =	ssyncadd.s32 $0xFFFFFD80  }
0xf: {  	v0 =	vld.idx.msk [tilespmem:v0+s2+$0x0], $0xffff  }
0x10: {  	v1 =	vld.idx.msk [tilespmem:v1+s2+$0x0], $0xffff  }
0x11: {  	v2 =	vld.idx.msk [tilespmem:v2+s2+$0x0], $0xffff  }
0x12: {  	v3 =	vld.idx.msk [tilespmem:v3+s2+$0x0], $0xffff;
	_ =	sdelay $0x3  }
0x13: {  	v0 =	vtrunc.f32 v0;
	v1 =	vtrunc.f32 v1  }
0x14: {  	v2 =	vtrunc.f32 v2;
	v3 =	vtrunc.f32 v3  }
0x15: {  	v4 =	vlaneseq.u32;
	v1 =	vcvt.f32.s32 v1;
	v3 =	vcvt.f32.s32 v3  }
0x16: {  	v5 =	vmul.u32 $0x2493, v4;
	v0 =	vcvt.f32.s32 v0;
	v2 =	vcvt.f32.s32 v2  }
0x17: {  	v3 =	vsub.s32 v3, v1  }
0x18: {  	v8 =	vimm.s32 $0x66543210;
	v2 =	vsub.s32 v2, v0;
	v6 =	vmul.u32 v5, v3  }
0x19: {  	v8 =	vunpack.c.l.s4.s8 v8;
	v7 =	vmul.u32 v5, v2  }
0x1a: {  	vm1 =	vcmask $0x1F00;
	v6 =	vadd.s32 v5, v6  }
0x1b: {  	s24 =	sshrl.u32 s1, $0x1;
	v8 =	vunpack.c.0.s8.s32 v8;
	v5 =	vadd.s32 v5, v7;
	v6 =	vshrl.u32 v6, $0x10  }
0x1c: {  	v58 =	vmov s24;
	v5 =	vshrl.u32 v5, $0x10;
	vm0 =	vlt.s32 v6, v3  }
0x1d: {  	v59 =	vnsel vm1, $0x6, v8;
	vm14 =	vlt.s32 v5, v2;
	v3 =	vsel vm0, v6, v3  }
0x1e: {  	v2 =	vsel vm14, v5, v2;
	v1 =	vadd.s32 v1, v3  }
0x1f: {  	v0 =	vadd.s32 v0, v2;
	[tilespmem:$0x400] =	vst v1  }
0x20: {  	[tilespmem:$0x480] =	vst v0  }
0x21: {  	s25 =	simm.s32 $0x480;
	v0 =	vld.idx.msk [tilespmem:v58+s6+$0x0], $0xffff  }
0x22: {  	v1 =	vld.idx.msk [tilespmem:v59+s25+$0x0], $0xffff;
	_ =	sdelay $0x3  }
0x23: {  	v0 =	vshll.u32 v0, $0x6  }
0x24: {  	v0 =	vadd.s32 v1, v0  }
0x25: {  	[tilespmem:$0x500] =	vst v0  }
0x26: {  	v0 =	vld.msk [tilespmem:$0x500], $0xff;
	_ =	sdelay $0x4  }
0x27: {  	v60 =	vshll.u32 v0, $0x2  }
0x28: {  	v0 =	vand.u32 $0x7, v0;
	v1 =	vand.u32 $0xFFFFFFE0, v60  }
0x29: {  	v61 =	vand.u32 $0x7, v4;
	v62 =	vshrl.u32 v4, $0x3;
	v0 =	vor.u32 v0, v1  }
0x2a: {  	v63 =	vmul.u32 $0x8, v62;
	v0 =	vperm.xlane v0, v61;
	_ =	sdelay $0x1  }
0x2b: {  	v0 =	vadd.s32 v63, v0  }
0x2c: {  	s26 =	sshll.u32 s1, $0xB;
	s7 =	sshll.u32 s24, $0xC  }
0x2d: {  	s6 =	ssub.s32 s26, s7  }
0x2e: {  	s6 =	sshrl.u32 s6, $0x3  }
0x2f: {  	vm15 =	vmmov $0xffff;
	s28 =	simm.s32 $0x580;
	s29 =	simm.s32 $0x1;
	s4 =	sadd.s32 s4, s6  }
0x30: {  	[tilespmem:s28], [sflag:$0x1] =	stream.indirect_vreg.gather [hbm4b:s4+s2], $0x80, v0, vm15, $0xb8;
	[tilespmem:$0xD80] =	vst v63  }
0x31: {  	_ =	swait.ge [sflag:s29], $0x800  }
0x32: {  	s3 =	sadd.s32 $0x400, s3;
	s30 =	sshll.u32 s1, $0x8;
	[sflag:s29] =	ssyncset.done $0x0  }
0x33: {  	s3 =	sadd.s32 s3, s30;
	[sflag:s29] =	ssyncadd.s32 $0xFFFFF800  }
0x34: {  	[hbm4b:s3+s2] =	stream.linear.scatter [tilespmem:s28], [sflag:$0x2], $0x380, $0x38;
	[tilespmem:$0xD80] =	vst v63  }
0x35: {  	s31 =	simm.s32 $0x980;
	s3 =	sadd.s32 $0x80, s3  }
0x36: {  	[hbm4b:s3+s2] =	stream.linear.scatter [tilespmem:s31], [sflag:$0x2], $0x380, $0x38;
	[tilespmem:$0xD80] =	vst v63  }
0x37: {  	_ =	swait.ge [sflag:s23], $0x700  }
0x38: {  	[sflag:s23] =	ssyncset.done $0x0  }
0x39: {  	[sflag:s23] =	ssyncadd.s32 $0xFFFFF900  }
.LBB2_2:
0x3a: {  	_ =	sfence.sel $0x180000  }
0x3b: {  	[bflag:$0x0] =	sbarrier.arrive $0xFFFF  }
0x3c: {  	p0 =	sne.s32 s1, $0x0;
	_ =	strace $0x90000047  }
0x3d: {  	s0 =	sadd.s32 @!p0 $0x100000, s0;
	[bflag:$0x2] =	sbarrier.arrive $0xFFFF  }
0x3e: {  	[sflag:s0] =	ssyncadd.tile.s32 @!p0 $0x1;
	_ =	shalt  }
.Lfunc_end2:
_tile_overlayer_lowered:
.L_overlay_start_2:
0x3f: {  	(tag) =	ssettag $0x2  }
0x40: {  	s0 =	rddreg [dreg:$0x0];
	s2 =	stileid.u32  }
0x41: {  	s1 =	rddreg [dreg:$0x1];
	p0 =	sne.s32 s2, $0x0  }
0x42: {  	s3 =	rddreg [dreg:$0x2];
	[bflag:$0x3] =	sbarrier.arrive $0xFFFF;
	s2 =	simm.s32 @!p0 $0x1C02  }
0x43: {  	[timem:s3], [sflag:s2] =	dma.local @!p0 [hbm:s0], s1  }
0x44: {  	s0 =	simm.s32 @!p0 $0x2  }
0x45: {  	_ =	swait.ge @!p0 [sflag:s0], s1  }
0x46: {  	s1 =	ssub.s32 @!p0 $0x0, s1;
	[sflag:s0] =	ssyncset.done @!p0 $0x0  }
0x47: {  	[sflag:s0] =	ssyncadd.s32 @!p0 s1  }
0x48: {  	[bflag:$0x3] =	sbarrier.arrive $0xFFFF  }
0x49: {  	_ =	shalt  }

</sc_bundles>
